<compile_context>
chip_gen: v7x
topology: tpu7x:2x2x1
jax: 0.10.2.dev20260603
libtpu: 0.0.44.dev20260713+nightly
codegen_flags: <defaults>
</compile_context>

<pallas_src>
import functools
import math

import jax
import jax.numpy as jnp
from jax import lax
from jax.experimental import pallas as pl
from jax.experimental.pallas import tpu as pltpu
from jax.experimental.pallas import tpu_sc as plsc

B, P, D, T, TOP_K = 4096, 64, 2048, 8, 2
KBLK = 128
BBLK = 1024

NC, NS, L = 2, 16, 16
NW = NC * NS
RPW = B // NW


def _sim_kernel(q_ref, k_ref, t_ref, simT_ref):
    q = q_ref[...]
    kk = k_ref[...]
    qn = q / jnp.maximum(jnp.sqrt(jnp.sum(q * q, axis=1, keepdims=True)), 1e-12)
    kn = kk / jnp.maximum(jnp.sqrt(jnp.sum(kk * kk, axis=1, keepdims=True)), 1e-12)
    temp = jnp.clip(t_ref[0, 0], 0.1, 2.0)
    simT_ref[...] = lax.dot_general(
        kn, qn, (((1,), (1,)), ((), ())),
        preferred_element_type=jnp.float32) / temp


def _pv_matmul_kernel(pv_ref, w_ref, out_ref):
    k = pl.program_id(0)

    @pl.when(k == 0)
    def _init():
        out_ref[...] = jnp.zeros_like(out_ref)

    for t in range(T):
        out_ref[...] += jnp.dot(pv_ref[:, t, :], w_ref[t, :, :],
                                preferred_element_type=jnp.float32)


def _sc_route_body(simT_hbm, idxT_hbm, aT_hbm, simT_v, idx0_v, idx1_v, aT_v):
    wid = lax.axis_index("s") * NC + lax.axis_index("c")
    base = wid * RPW
    pltpu.sync_copy(simT_hbm.at[:, pl.ds(base, RPW)], simT_v)

    def chunk_body(ch, carry):
        off = ch * L

        def scan_col(c, st):
            m0, m1, i0, i1 = st
            v = simT_v[c, pl.ds(off, L)]
            cv = jnp.full((L,), 1, jnp.int32) * c
            gt0 = v > m0
            gt1 = v > m1
            i1 = jnp.where(gt0, i0, jnp.where(gt1, cv, i1))
            m1 = jnp.where(gt0, m0, jnp.where(gt1, v, m1))
            i0 = jnp.where(gt0, cv, i0)
            m0 = jnp.where(gt0, v, m0)
            return (m0, m1, i0, i1)

        m0, m1, i0, i1 = lax.fori_loop(
            0, P, scan_col,
            (jnp.full((L,), -jnp.inf, jnp.float32),
             jnp.full((L,), -jnp.inf, jnp.float32),
             jnp.zeros((L,), jnp.int32),
             jnp.zeros((L,), jnp.int32)))

        t = jnp.exp(m1 - m0)
        w0 = 1.0 / (1.0 + t)
        w1 = t / (1.0 + t)

        def fill_col(c, carry2):
            cv = jnp.full((L,), 1, jnp.int32) * c
            a_c = (jnp.where(i0 == cv, w0, 0.0)
                   + jnp.where(i1 == cv, w1, 0.0))
            aT_v[c, pl.ds(off, L)] = a_c
            return carry2

        lax.fori_loop(0, P, fill_col, 0)

        idx0_v[pl.ds(off, L)] = i0
        idx1_v[pl.ds(off, L)] = i1
        return carry

    lax.fori_loop(0, RPW // L, chunk_body, 0)

    pltpu.sync_copy(idx0_v, idxT_hbm.at[0, pl.ds(base, RPW)])
    pltpu.sync_copy(idx1_v, idxT_hbm.at[1, pl.ds(base, RPW)])
    pltpu.sync_copy(aT_v, aT_hbm.at[:, pl.ds(base, RPW)])


_sc_route = functools.partial(
    pl.kernel,
    mesh=plsc.VectorSubcoreMesh(core_axis_name="c", subcore_axis_name="s"),
    out_type=[
        jax.ShapeDtypeStruct((TOP_K, B), jnp.int32),
        jax.ShapeDtypeStruct((P, B), jnp.float32),
    ],
    scratch_types=[
        pltpu.VMEM((P, RPW), jnp.float32),
        pltpu.VMEM((RPW,), jnp.int32),
        pltpu.VMEM((RPW,), jnp.int32),
        pltpu.VMEM((P, RPW), jnp.float32),
    ],
)(_sc_route_body)


def _agg_kernel(aT_ref, pv_ref, b_ref, g_ref, be_ref, out_ref):
    h = lax.dot_general(
        aT_ref[...], pv_ref[...], (((0,), (0,)), ((), ())),
        preferred_element_type=jnp.float32) + b_ref[...]

    n_inv = 1.0 / D
    mu = jnp.sum(h, axis=1, keepdims=True) * n_inv
    var = jnp.sum(h * h, axis=1, keepdims=True) * n_inv - mu * mu
    s = jax.lax.rsqrt(var + 1e-5)
    scale = s * g_ref[...]
    shift = be_ref[...] - mu * scale
    hn = h * scale + shift

    half = 0.5 * hn
    out_ref[...] = half + half * jax.lax.erf(hn * (1.0 / math.sqrt(2.0)))


@jax.jit
def kernel(query_feature, prompt_keys, prompt_values, temperature, W, b,
           gamma, beta):
    t2 = jnp.asarray(temperature, jnp.float32).reshape(1, 1)

    simT = pl.pallas_call(
        _sim_kernel,
        grid=(B // BBLK,),
        in_specs=[
            pl.BlockSpec((BBLK, D), lambda i: (i, 0)),
            pl.BlockSpec((P, D), lambda i: (0, 0)),
            pl.BlockSpec((1, 1), lambda i: (0, 0)),
        ],
        out_specs=pl.BlockSpec((P, BBLK), lambda i: (0, i)),
        out_shape=jax.ShapeDtypeStruct((P, B), jnp.float32),
    )(query_feature, prompt_keys, t2)

    w3 = W.reshape(T, D, D)
    pv_table = pl.pallas_call(
        _pv_matmul_kernel,
        grid=(D // KBLK,),
        in_specs=[
            pl.BlockSpec((P, T, KBLK), lambda k: (0, 0, k)),
            pl.BlockSpec((T, KBLK, D), lambda k: (0, k, 0)),
        ],
        out_specs=pl.BlockSpec((P, D), lambda k: (0, 0)),
        out_shape=jax.ShapeDtypeStruct((P, D), jnp.float32),
    )(prompt_values, w3)

    idx_t, a_t = _sc_route(simT)

    out = pl.pallas_call(
        _agg_kernel,
        grid=(B // BBLK,),
        in_specs=[
            pl.BlockSpec((P, BBLK), lambda i: (0, i)),
            pl.BlockSpec((P, D), lambda i: (0, 0)),
            pl.BlockSpec((1, D), lambda i: (0, 0)),
            pl.BlockSpec((1, D), lambda i: (0, 0)),
            pl.BlockSpec((1, D), lambda i: (0, 0)),
        ],
        out_specs=pl.BlockSpec((BBLK, D), lambda i: (i, 0)),
        out_shape=jax.ShapeDtypeStruct((B, D), jnp.float32),
    )(a_t, pv_table, b.reshape(1, D), gamma.reshape(1, D), beta.reshape(1, D))

    return (out, idx_t.T)

# --- scband reference (transcript-rebuilt; emitter-appended) ---
"""Pipeline reference for scband-domain-prompt-pool-32676111188188 (READ-ONLY COPY).

The authoritative reference and input builder live on the scoring server;
editing this copy changes nothing except your own understanding.
"""

import jax, jax.numpy as jnp
import numpy as np

B, P, D, T, TOP_K = 4096, 64, 2048, 8, 2

def setup_inputs(seed: int = 0):
    key = jax.random.key(seed)
    ks = jax.random.split(key, 8)
    return {
        "query_feature": jax.random.normal(ks[0], (B, D), jnp.float32),
        "prompt_keys": jax.random.normal(ks[1], (P, D), jnp.float32),
        "prompt_values": jax.random.normal(ks[2], (P, T, D), jnp.float32),
        "temperature": jnp.asarray(1.0, jnp.float32),
        "W": jax.random.normal(ks[3], (T * D, D), jnp.float32) * 0.02,
        "b": jnp.zeros((D,), jnp.float32),
        "gamma": jnp.ones((D,), jnp.float32),
        "beta": jnp.zeros((D,), jnp.float32),
    }

def _l2_normalize(x, axis):
    n = jnp.sqrt(jnp.sum(x * x, axis=axis, keepdims=True))
    return x / jnp.maximum(n, 1e-12)

def reference(query_feature, prompt_keys, prompt_values, temperature, W, b, gamma, beta):
    # eval mode: deterministic top-k (no noise branch)
    qn = _l2_normalize(query_feature, 1)
    kn = _l2_normalize(prompt_keys, 1)
    similarity = qn @ kn.T                      # [B, P]
    temp = jnp.clip(temperature, 0.1, 2.0)
    similarity = similarity / temp
    _, top_indices = jax.lax.top_k(similarity, TOP_K)   # [B, k]
    selected_values = prompt_values[top_indices]        # gather -> [B, k, T, D]
    selected_similarities = jnp.take_along_axis(similarity, top_indices, axis=1)  # [B, k]
    attention_weights = jax.nn.softmax(selected_similarities, axis=1)
    attention_weights = attention_weights[:, :, None, None]
    weighted_values = selected_values * attention_weights
    aggregated_values = jnp.sum(weighted_values, axis=1)  # [B, T, D]
    flat = aggregated_values.reshape(aggregated_values.shape[0], -1)  # [B, T*D]
    h = flat @ W + b                                      # Linear
    mu = jnp.mean(h, axis=-1, keepdims=True)
    var = jnp.var(h, axis=-1, keepdims=True)
    hn = (h - mu) / jnp.sqrt(var + 1e-5) * gamma + beta   # LayerNorm
    domain_prompt = jax.nn.gelu(hn, approximate=False)    # exact GELU (torch default)
    return (domain_prompt, top_indices)

if __name__ == "__main__":
    import jax
    _d = setup_inputs()
    print(jax.jit(kernel)(*tuple(_d.values())))

</pallas_src>

<mosaic_0001>
#map = affine_map<(d0, d1) -> (0, 0)>
module attributes {stable_mosaic.version = 14 : i64} {
  func.func @_sc_route_body(%arg0: i32, %arg1: i32, %arg2: memref<64x4096xf32, #tpu.memory_space<hbm>>, %arg3: memref<2x4096xi32, #tpu.memory_space<hbm>>, %arg4: memref<64x4096xf32, #tpu.memory_space<hbm>>, %arg5: memref<64x128xf32, #tpu.memory_space<vmem>>, %arg6: memref<128xi32, #tpu.memory_space<vmem>>, %arg7: memref<128xi32, #tpu.memory_space<vmem>>, %arg8: memref<64x128xf32, #tpu.memory_space<vmem>>) attributes {dimension_semantics = [#tpu.dimension_semantics<core_parallel>, #tpu.dimension_semantics<subcore_parallel>], iteration_bounds = array<i64: 2, 16>, scalar_prefetch = 0 : i64, scratch_operands = 4 : i64, tpu.core_type = #tpu.core_type<sc_vector_subcore>, window_params = [{transform_indices = #map}, {transform_indices = #map}, {transform_indices = #map}]} {
    %mul3A = arith.constant 2 : i32
    %mul3A_0 = arith.muli %arg1, %mul3A : i32
    %add3A = arith.addi %mul3A_0, %arg0 : i32
    %mul3A_1 = arith.constant 128 : i32
    %mul3A_2 = arith.muli %add3A, %mul3A_1 : i32
    "tpu.region"() ({
      %run_scoped3A_9 = tpu.sem_alloc : memref<!tpu.dma_semaphore, #tpu.memory_space<semaphore_mem>>
      %dma_start3A = arith.constant 0 : i32
      %dma_start3A_10 = tpu.memref_slice %arg2[%dma_start3A, %mul3A_2] : memref<64x4096xf32, #tpu.memory_space<hbm>> -> memref<64x128xf32, #tpu.memory_space<hbm>>
      %dma_start3A_11 = arith.constant 0 : i32
      %dma_start3A_12 = tpu.memref_slice %arg2[%dma_start3A_11, %mul3A_2] : memref<64x4096xf32, #tpu.memory_space<hbm>> -> memref<64x128xf32, #tpu.memory_space<hbm>>
      tpu.enqueue_dma source(%dma_start3A_12 : memref<64x128xf32, #tpu.memory_space<hbm>>) target(%arg5 : memref<64x128xf32, #tpu.memory_space<vmem>>) target_semaphore(%run_scoped3A_9 : memref<!tpu.dma_semaphore, #tpu.memory_space<semaphore_mem>>)
      %dma_wait3A = arith.constant 0 : i32
      %dma_wait3A_13 = tpu.memref_slice %arg2[%dma_wait3A, %mul3A_2] : memref<64x4096xf32, #tpu.memory_space<hbm>> -> memref<64x128xf32, #tpu.memory_space<hbm>>
      %dma_wait3A_14 = arith.constant 0 : i32
      %dma_wait3A_15 = tpu.memref_slice %arg2[%dma_wait3A_14, %mul3A_2] : memref<64x4096xf32, #tpu.memory_space<hbm>> -> memref<64x128xf32, #tpu.memory_space<hbm>>
      tpu.wait_dma2 semaphore(%run_scoped3A_9 : memref<!tpu.dma_semaphore, #tpu.memory_space<semaphore_mem>>) src(%dma_wait3A_15 : memref<64x128xf32, #tpu.memory_space<hbm>>) dst(%arg5 : memref<64x128xf32, #tpu.memory_space<vmem>>)
      tpu.yield
    }) : () -> ()
    %scan3A = arith.constant 0 : i32
    %scan3A_3 = arith.constant 0 : i32
    %scan3A_4 = arith.constant 8 : i32
    %scan3A_5 = arith.addi %scan3A_3, %scan3A_4 : i32
    %scan3A_6 = arith.constant 1 : i32
    scf.for %scan3A_9 = %scan3A_3 to %scan3A_5 step %scan3A_6  : i32 {
      %mul3A_10 = arith.constant 16 : i32
      %mul3A_11 = arith.muli %scan3A_9, %mul3A_10 : i32
      %broadcast_in_dim3A = arith.constant 0xFF800000 : f32
      %broadcast_in_dim3A_12 = vector.broadcast %broadcast_in_dim3A : f32 to vector<16xf32>
      %broadcast_in_dim3A_13 = arith.constant 0xFF800000 : f32
      %broadcast_in_dim3A_14 = vector.broadcast %broadcast_in_dim3A_13 : f32 to vector<16xf32>
      %broadcast_in_dim3A_15 = arith.constant 0 : i32
      %broadcast_in_dim3A_16 = vector.broadcast %broadcast_in_dim3A_15 : i32 to vector<16xi32>
      %broadcast_in_dim3A_17 = arith.constant 0 : i32
      %broadcast_in_dim3A_18 = vector.broadcast %broadcast_in_dim3A_17 : i32 to vector<16xi32>
      %scan3A_19 = arith.constant 0 : i32
      %scan3A_20 = arith.constant 64 : i32
      %scan3A_21 = arith.addi %scan3A_19, %scan3A_20 : i32
      %scan3A_22 = arith.constant 1 : i32
      %scan3A_23:4 = scf.for %scan3A_47 = %scan3A_19 to %scan3A_21 step %scan3A_22 iter_args(%scan3A_48 = %broadcast_in_dim3A_12, %scan3A_49 = %broadcast_in_dim3A_14, %scan3A_50 = %broadcast_in_dim3A_16, %scan3A_51 = %broadcast_in_dim3A_18) -> (vector<16xf32>, vector<16xf32>, vector<16xi32>, vector<16xi32>)  : i32 {
        %get3A = arith.index_cast %scan3A_47 : i32 to index
        %get3A_52 = arith.index_cast %mul3A_11 : i32 to index
        %get3A_53 = tpu.vector_load %arg5[%get3A, %get3A_52] {strides = array<i32>} : memref<64x128xf32, #tpu.memory_space<vmem>>, vector<1x16xf32>,
        %get3A_54 = vector.shape_cast %get3A_53 : vector<1x16xf32> to vector<16xf32>
        %broadcast_in_dim3A_55 = arith.constant 1 : i32
        %broadcast_in_dim3A_56 = vector.broadcast %broadcast_in_dim3A_55 : i32 to vector<16xi32>
        %mul3A_57 = vector.broadcast %scan3A_47 : i32 to vector<16xi32>
        %mul3A_58 = arith.muli %broadcast_in_dim3A_56, %mul3A_57 : vector<16xi32>
        %gt3A = arith.cmpf ogt, %get3A_54, %scan3A_48 : vector<16xf32>
        %gt3A_59 = arith.cmpf ogt, %get3A_54, %scan3A_49 : vector<16xf32>
        %select_n3A = arith.select %gt3A_59, %mul3A_58, %scan3A_51 : vector<16xi1>, vector<16xi32>
        %select_n3A_60 = arith.select %gt3A, %scan3A_50, %select_n3A : vector<16xi1>, vector<16xi32>
        %select_n3A_61 = arith.select %gt3A_59, %get3A_54, %scan3A_49 : vector<16xi1>, vector<16xf32>
        %select_n3A_62 = arith.select %gt3A, %scan3A_48, %select_n3A_61 : vector<16xi1>, vector<16xf32>
        %select_n3A_63 = arith.select %gt3A, %mul3A_58, %scan3A_50 : vector<16xi1>, vector<16xi32>
        %select_n3A_64 = arith.select %gt3A, %get3A_54, %scan3A_48 : vector<16xi1>, vector<16xf32>
        scf.yield %select_n3A_64, %select_n3A_62, %select_n3A_63, %select_n3A_60 : vector<16xf32>, vector<16xf32>, vector<16xi32>, vector<16xi32>
      }
      %scan3A_24 = arith.constant 64 : i32
      %sub3A = arith.subf %scan3A_23#1, %scan3A_23#0 : vector<16xf32>
      %exp3A = math.exp %sub3A : vector<16xf32>
      %add3A_25 = arith.constant 1.000000e+00 : f32
      %add3A_26 = vector.broadcast %add3A_25 : f32 to vector<16xf32>
      %add3A_27 = arith.addf %add3A_26, %exp3A : vector<16xf32>
      %div3A = arith.constant 1.000000e+00 : f32
      %div3A_28 = vector.broadcast %div3A : f32 to vector<16xf32>
      %div3A_29 = arith.divf %div3A_28, %add3A_27 : vector<16xf32>
      %add3A_30 = arith.constant 1.000000e+00 : f32
      %add3A_31 = vector.broadcast %add3A_30 : f32 to vector<16xf32>
      %add3A_32 = arith.addf %add3A_31, %exp3A : vector<16xf32>
      %div3A_33 = arith.divf %exp3A, %add3A_32 : vector<16xf32>
      %scan3A_34 = arith.constant 0 : i32
      %scan3A_35 = arith.constant 0 : i32
      %scan3A_36 = arith.constant 64 : i32
      %scan3A_37 = arith.addi %scan3A_35, %scan3A_36 : i32
      %scan3A_38 = arith.constant 1 : i32
      scf.for %scan3A_47 = %scan3A_35 to %scan3A_37 step %scan3A_38  : i32 {
        %broadcast_in_dim3A_48 = arith.constant 1 : i32
        %broadcast_in_dim3A_49 = vector.broadcast %broadcast_in_dim3A_48 : i32 to vector<16xi32>
        %mul3A_50 = vector.broadcast %scan3A_47 : i32 to vector<16xi32>
        %mul3A_51 = arith.muli %broadcast_in_dim3A_49, %mul3A_50 : vector<16xi32>
        %eq3A = arith.cmpi eq, %scan3A_23#2, %mul3A_51 : vector<16xi32>
        %jit3A = arith.constant 0.000000e+00 : f32
        %broadcast_in_dim3A_52 = vector.broadcast %jit3A : f32 to vector<16xf32>
        %select_n3A = arith.select %eq3A, %div3A_29, %broadcast_in_dim3A_52 : vector<16xi1>, vector<16xf32>
        %eq3A_53 = arith.cmpi eq, %scan3A_23#3, %mul3A_51 : vector<16xi32>
        %jit3A_54 = arith.constant 0.000000e+00 : f32
        %broadcast_in_dim3A_55 = vector.broadcast %jit3A_54 : f32 to vector<16xf32>
        %select_n3A_56 = arith.select %eq3A_53, %div3A_33, %broadcast_in_dim3A_55 : vector<16xi1>, vector<16xf32>
        %add3A_57 = arith.addf %select_n3A, %select_n3A_56 : vector<16xf32>
        %swap3A_58 = arith.index_cast %scan3A_47 : i32 to index
        %swap3A_59 = arith.index_cast %mul3A_11 : i32 to index
        %swap3A_60 = tpu.vector_load %arg8[%swap3A_58, %swap3A_59] {strides = array<i32>} : memref<64x128xf32, #tpu.memory_space<vmem>>, vector<1x16xf32>,
        %swap3A_61 = vector.shape_cast %swap3A_60 : vector<1x16xf32> to vector<16xf32>
        %swap3A_62 = vector.shape_cast %add3A_57 : vector<16xf32> to vector<1x16xf32>
        tpu.vector_store %arg8[%swap3A_58, %swap3A_59], %swap3A_62 {strides = array<i32>} : memref<64x128xf32, #tpu.memory_space<vmem>>, vector<1x16xf32>,
      }
      %scan3A_39 = arith.constant 64 : i32
      %swap3A = arith.index_cast %mul3A_11 : i32 to index
      %swap3A_40 = tpu.vector_load %arg6[%swap3A] {strides = array<i32>} : memref<128xi32, #tpu.memory_space<vmem>>, vector<16xi32>,
      %swap3A_41 = vector.shape_cast %swap3A_40 : vector<16xi32> to vector<16xi32>
      %swap3A_42 = vector.shape_cast %scan3A_23#2 : vector<16xi32> to vector<16xi32>
      tpu.vector_store %arg6[%swap3A], %swap3A_42 {strides = array<i32>} : memref<128xi32, #tpu.memory_space<vmem>>, vector<16xi32>,
      %swap3A_43 = arith.index_cast %mul3A_11 : i32 to index
      %swap3A_44 = tpu.vector_load %arg7[%swap3A_43] {strides = array<i32>} : memref<128xi32, #tpu.memory_space<vmem>>, vector<16xi32>,
      %swap3A_45 = vector.shape_cast %swap3A_44 : vector<16xi32> to vector<16xi32>
      %swap3A_46 = vector.shape_cast %scan3A_23#3 : vector<16xi32> to vector<16xi32>
      tpu.vector_store %arg7[%swap3A_43], %swap3A_46 {strides = array<i32>} : memref<128xi32, #tpu.memory_space<vmem>>, vector<16xi32>,
    }
    %scan3A_7 = arith.constant 8 : i32
    %run_scoped3A = arith.constant 0 : i32
    "tpu.region"() ({
      %run_scoped3A_9 = tpu.sem_alloc : memref<!tpu.dma_semaphore, #tpu.memory_space<semaphore_mem>>
      %dma_start3A = tpu.memref_slice %arg3[%run_scoped3A, %mul3A_2] : memref<2x4096xi32, #tpu.memory_space<hbm>> -> memref<1x128xi32, #tpu.memory_space<hbm>>
      %dma_start3A_10 = tpu.memref_squeeze %dma_start3A : memref<1x128xi32, #tpu.memory_space<hbm>> -> memref<128xi32, #tpu.memory_space<hbm>>
      %dma_start3A_11 = tpu.memref_slice %arg3[%run_scoped3A, %mul3A_2] : memref<2x4096xi32, #tpu.memory_space<hbm>> -> memref<1x128xi32, #tpu.memory_space<hbm>>
      %dma_start3A_12 = tpu.memref_squeeze %dma_start3A_11 : memref<1x128xi32, #tpu.memory_space<hbm>> -> memref<128xi32, #tpu.memory_space<hbm>>
      tpu.enqueue_dma source(%arg6 : memref<128xi32, #tpu.memory_space<vmem>>) target(%dma_start3A_12 : memref<128xi32, #tpu.memory_space<hbm>>) target_semaphore(%run_scoped3A_9 : memref<!tpu.dma_semaphore, #tpu.memory_space<semaphore_mem>>)
      %dma_wait3A = tpu.memref_slice %arg3[%run_scoped3A, %mul3A_2] : memref<2x4096xi32, #tpu.memory_space<hbm>> -> memref<1x128xi32, #tpu.memory_space<hbm>>
      %dma_wait3A_13 = tpu.memref_squeeze %dma_wait3A : memref<1x128xi32, #tpu.memory_space<hbm>> -> memref<128xi32, #tpu.memory_space<hbm>>
      %dma_wait3A_14 = tpu.memref_slice %arg3[%run_scoped3A, %mul3A_2] : memref<2x4096xi32, #tpu.memory_space<hbm>> -> memref<1x128xi32, #tpu.memory_space<hbm>>
      %dma_wait3A_15 = tpu.memref_squeeze %dma_wait3A_14 : memref<1x128xi32, #tpu.memory_space<hbm>> -> memref<128xi32, #tpu.memory_space<hbm>>
      tpu.wait_dma2 semaphore(%run_scoped3A_9 : memref<!tpu.dma_semaphore, #tpu.memory_space<semaphore_mem>>) src(%arg6 : memref<128xi32, #tpu.memory_space<vmem>>) dst(%dma_wait3A_15 : memref<128xi32, #tpu.memory_space<hbm>>)
      tpu.yield
    }) : () -> ()
    %run_scoped3A_8 = arith.constant 1 : i32
    "tpu.region"() ({
      %run_scoped3A_9 = tpu.sem_alloc : memref<!tpu.dma_semaphore, #tpu.memory_space<semaphore_mem>>
      %dma_start3A = tpu.memref_slice %arg3[%run_scoped3A_8, %mul3A_2] : memref<2x4096xi32, #tpu.memory_space<hbm>> -> memref<1x128xi32, #tpu.memory_space<hbm>>
      %dma_start3A_10 = tpu.memref_squeeze %dma_start3A : memref<1x128xi32, #tpu.memory_space<hbm>> -> memref<128xi32, #tpu.memory_space<hbm>>
      %dma_start3A_11 = tpu.memref_slice %arg3[%run_scoped3A_8, %mul3A_2] : memref<2x4096xi32, #tpu.memory_space<hbm>> -> memref<1x128xi32, #tpu.memory_space<hbm>>
      %dma_start3A_12 = tpu.memref_squeeze %dma_start3A_11 : memref<1x128xi32, #tpu.memory_space<hbm>> -> memref<128xi32, #tpu.memory_space<hbm>>
      tpu.enqueue_dma source(%arg7 : memref<128xi32, #tpu.memory_space<vmem>>) target(%dma_start3A_12 : memref<128xi32, #tpu.memory_space<hbm>>) target_semaphore(%run_scoped3A_9 : memref<!tpu.dma_semaphore, #tpu.memory_space<semaphore_mem>>)
      %dma_wait3A = tpu.memref_slice %arg3[%run_scoped3A_8, %mul3A_2] : memref<2x4096xi32, #tpu.memory_space<hbm>> -> memref<1x128xi32, #tpu.memory_space<hbm>>
      %dma_wait3A_13 = tpu.memref_squeeze %dma_wait3A : memref<1x128xi32, #tpu.memory_space<hbm>> -> memref<128xi32, #tpu.memory_space<hbm>>
      %dma_wait3A_14 = tpu.memref_slice %arg3[%run_scoped3A_8, %mul3A_2] : memref<2x4096xi32, #tpu.memory_space<hbm>> -> memref<1x128xi32, #tpu.memory_space<hbm>>
      %dma_wait3A_15 = tpu.memref_squeeze %dma_wait3A_14 : memref<1x128xi32, #tpu.memory_space<hbm>> -> memref<128xi32, #tpu.memory_space<hbm>>
      tpu.wait_dma2 semaphore(%run_scoped3A_9 : memref<!tpu.dma_semaphore, #tpu.memory_space<semaphore_mem>>) src(%arg7 : memref<128xi32, #tpu.memory_space<vmem>>) dst(%dma_wait3A_15 : memref<128xi32, #tpu.memory_space<hbm>>)
      tpu.yield
    }) : () -> ()
    "tpu.region"() ({
      %run_scoped3A_9 = tpu.sem_alloc : memref<!tpu.dma_semaphore, #tpu.memory_space<semaphore_mem>>
      %dma_start3A = arith.constant 0 : i32
      %dma_start3A_10 = tpu.memref_slice %arg4[%dma_start3A, %mul3A_2] : memref<64x4096xf32, #tpu.memory_space<hbm>> -> memref<64x128xf32, #tpu.memory_space<hbm>>
      %dma_start3A_11 = arith.constant 0 : i32
      %dma_start3A_12 = tpu.memref_slice %arg4[%dma_start3A_11, %mul3A_2] : memref<64x4096xf32, #tpu.memory_space<hbm>> -> memref<64x128xf32, #tpu.memory_space<hbm>>
      tpu.enqueue_dma source(%arg8 : memref<64x128xf32, #tpu.memory_space<vmem>>) target(%dma_start3A_12 : memref<64x128xf32, #tpu.memory_space<hbm>>) target_semaphore(%run_scoped3A_9 : memref<!tpu.dma_semaphore, #tpu.memory_space<semaphore_mem>>)
      %dma_wait3A = arith.constant 0 : i32
      %dma_wait3A_13 = tpu.memref_slice %arg4[%dma_wait3A, %mul3A_2] : memref<64x4096xf32, #tpu.memory_space<hbm>> -> memref<64x128xf32, #tpu.memory_space<hbm>>
      %dma_wait3A_14 = arith.constant 0 : i32
      %dma_wait3A_15 = tpu.memref_slice %arg4[%dma_wait3A_14, %mul3A_2] : memref<64x4096xf32, #tpu.memory_space<hbm>> -> memref<64x128xf32, #tpu.memory_space<hbm>>
      tpu.wait_dma2 semaphore(%run_scoped3A_9 : memref<!tpu.dma_semaphore, #tpu.memory_space<semaphore_mem>>) src(%arg8 : memref<64x128xf32, #tpu.memory_space<vmem>>) dst(%dma_wait3A_15 : memref<64x128xf32, #tpu.memory_space<hbm>>)
      tpu.yield
    }) : () -> ()
    return
  }
}

module attributes {stable_mosaic.version = 14 : i64} {
  func.func @_sim_kernel(%arg0: i32, %arg1: memref<1024x2048xf32, #tpu.memory_space<vmem>>, %arg2: memref<64x2048xf32, #tpu.memory_space<vmem>>, %arg3: memref<1x1xf32, #tpu.memory_space<vmem>>, %arg4: memref<64x1024xf32, #tpu.memory_space<vmem>>) attributes {dimension_semantics = [#tpu.dimension_semantics<arbitrary>], iteration_bounds = array<i64: 4>, scalar_prefetch = 0 : i64, scratch_operands = 0 : i64, tpu.core_type = #tpu.core_type<tc>, window_params = [{transform_indices = @transform_0, window_bounds = array<i64: 1024, 2048>}, {pipeline_mode = #tpu.pipeline_mode<synchronous>, transform_indices = @transform_1, window_bounds = array<i64: 64, 2048>}, {pipeline_mode = #tpu.pipeline_mode<synchronous>, transform_indices = @transform_2, window_bounds = array<i64: 1, 1>}, {transform_indices = @transform_3, window_bounds = array<i64: 64, 1024>}]} {
    %get3A = arith.constant 0 : index
    %get3A_0 = arith.constant 0 : index
    %get3A_1 = vector.load %arg1[%get3A, %get3A_0] : memref<1024x2048xf32, #tpu.memory_space<vmem>>, vector<1024x2048xf32>
    %get3A_2 = arith.constant 0 : index
    %get3A_3 = arith.constant 0 : index
    %get3A_4 = vector.load %arg2[%get3A_2, %get3A_3] : memref<64x2048xf32, #tpu.memory_space<vmem>>, vector<64x2048xf32>
    %mul3A = arith.mulf %get3A_1, %get3A_1 : vector<1024x2048xf32>
    %reduce_sum3A = arith.constant dense<0.000000e+00> : vector<1024xf32>
    %reduce_sum3A_5 = vector.multi_reduction <add>, %mul3A, %reduce_sum3A [1] : vector<1024x2048xf32> to vector<1024xf32>
    %broadcast_in_dim3A = vector.shape_cast %reduce_sum3A_5 : vector<1024xf32> to vector<1024x1xf32>
    %sqrt3A = math.sqrt %broadcast_in_dim3A : vector<1024x1xf32>
    %max3A = arith.constant 9.99999996E-13 : f32
    %max3A_6 = vector.broadcast %max3A : f32 to vector<1024x1xf32>
    %max3A_7 = arith.maximumf %sqrt3A, %max3A_6 : vector<1024x1xf32>
    %div3A = vector.broadcast %max3A_7 : vector<1024x1xf32> to vector<1024x2048xf32>
    %div3A_8 = arith.divf %get3A_1, %div3A : vector<1024x2048xf32>
    %mul3A_9 = arith.mulf %get3A_4, %get3A_4 : vector<64x2048xf32>
    %reduce_sum3A_10 = arith.constant dense<0.000000e+00> : vector<64xf32>
    %reduce_sum3A_11 = vector.multi_reduction <add>, %mul3A_9, %reduce_sum3A_10 [1] : vector<64x2048xf32> to vector<64xf32>
    %broadcast_in_dim3A_12 = vector.shape_cast %reduce_sum3A_11 : vector<64xf32> to vector<64x1xf32>
    %sqrt3A_13 = math.sqrt %broadcast_in_dim3A_12 : vector<64x1xf32>
    %max3A_14 = arith.constant 9.99999996E-13 : f32
    %max3A_15 = vector.broadcast %max3A_14 : f32 to vector<64x1xf32>
    %max3A_16 = arith.maximumf %sqrt3A_13, %max3A_15 : vector<64x1xf32>
    %div3A_17 = vector.broadcast %max3A_16 : vector<64x1xf32> to vector<64x2048xf32>
    %div3A_18 = arith.divf %get3A_4, %div3A_17 : vector<64x2048xf32>
    %get3A_19 = arith.constant 0 : index
    %get3A_20 = arith.constant 0 : index
    %get3A_21 = vector.load %arg3[%get3A_19, %get3A_20] : memref<1x1xf32, #tpu.memory_space<vmem>>, vector<1x1xf32>
    %get3A_22 = vector.extract %get3A_21[0, 0] : f32 from vector<1x1xf32>
    %jit3A = arith.constant 1.000000e-01 : f32
    %jit3A_23 = arith.constant 2.000000e+00 : f32
    %max3A_24 = arith.maximumf %jit3A, %get3A_22 : f32
    %min3A = arith.minimumf %jit3A_23, %max3A_24 : f32
    %dot_general3A = arith.constant dense<0.000000e+00> : vector<64x1024xf32>
    %dot_general3A_25 = tpu.matmul %div3A_18, %div3A_8, %dot_general3A {dimension_numbers = #tpu.dot_dimension_numbers<[1], [1], [0], [0], [0, 0, 1, 0], [], []>, transpose_lhs_hint = false} : vector<64x2048xf32>, vector<1024x2048xf32>, vector<64x1024xf32> -> vector<64x1024xf32>
    %div3A_26 = vector.broadcast %min3A : f32 to vector<64x1024xf32>
    %div3A_27 = arith.divf %dot_general3A_25, %div3A_26 : vector<64x1024xf32>
    %swap3A = arith.constant 0 : index
    %swap3A_28 = arith.constant 0 : index
    %swap3A_29 = vector.load %arg4[%swap3A, %swap3A_28] : memref<64x1024xf32, #tpu.memory_space<vmem>>, vector<64x1024xf32>
    tpu.vector_store %arg4[%swap3A, %swap3A_28], %div3A_27 {strides = array<i32>} : memref<64x1024xf32, #tpu.memory_space<vmem>>, vector<64x1024xf32>,
    return
  }
  func.func @transform_0(%arg0: i32) -> (i32, i32) {
    %c0_i32 = arith.constant 0 : i32
    %c0_i32_0 = arith.constant 0 : i32
    return %arg0, %c0_i32 : i32, i32
  }
  func.func @transform_1(%arg0: i32) -> (i32, i32) {
    %c0_i32 = arith.constant 0 : i32
    %c0_i32_0 = arith.constant 0 : i32
    %c0_i32_1 = arith.constant 0 : i32
    return %c0_i32, %c0_i32_0 : i32, i32
  }
  func.func @transform_2(%arg0: i32) -> (i32, i32) {
    %c0_i32 = arith.constant 0 : i32
    %c0_i32_0 = arith.constant 0 : i32
    %c0_i32_1 = arith.constant 0 : i32
    return %c0_i32, %c0_i32_0 : i32, i32
  }
  func.func @transform_3(%arg0: i32) -> (i32, i32) {
    %c0_i32 = arith.constant 0 : i32
    %c0_i32_0 = arith.constant 0 : i32
    return %c0_i32, %arg0 : i32, i32
  }
}

module attributes {stable_mosaic.version = 14 : i64} {
  func.func @_agg_kernel(%arg0: i32, %arg1: memref<64x1024xf32, #tpu.memory_space<vmem>>, %arg2: memref<64x2048xf32, #tpu.memory_space<vmem>>, %arg3: memref<1x2048xf32, #tpu.memory_space<vmem>>, %arg4: memref<1x2048xf32, #tpu.memory_space<vmem>>, %arg5: memref<1x2048xf32, #tpu.memory_space<vmem>>, %arg6: memref<1024x2048xf32, #tpu.memory_space<vmem>>) attributes {dimension_semantics = [#tpu.dimension_semantics<arbitrary>], iteration_bounds = array<i64: 4>, scalar_prefetch = 0 : i64, scratch_operands = 0 : i64, tpu.core_type = #tpu.core_type<tc>, window_params = [{transform_indices = @transform_0, window_bounds = array<i64: 64, 1024>}, {pipeline_mode = #tpu.pipeline_mode<synchronous>, transform_indices = @transform_1, window_bounds = array<i64: 64, 2048>}, {pipeline_mode = #tpu.pipeline_mode<synchronous>, transform_indices = @transform_2, window_bounds = array<i64: 1, 2048>}, {pipeline_mode = #tpu.pipeline_mode<synchronous>, transform_indices = @transform_3, window_bounds = array<i64: 1, 2048>}, {pipeline_mode = #tpu.pipeline_mode<synchronous>, transform_indices = @transform_4, window_bounds = array<i64: 1, 2048>}, {transform_indices = @transform_5, window_bounds = array<i64: 1024, 2048>}]} {
    %get3A = arith.constant 0 : index
    %get3A_0 = arith.constant 0 : index
    %get3A_1 = vector.load %arg1[%get3A, %get3A_0] : memref<64x1024xf32, #tpu.memory_space<vmem>>, vector<64x1024xf32>
    %get3A_2 = arith.constant 0 : index
    %get3A_3 = arith.constant 0 : index
    %get3A_4 = vector.load %arg2[%get3A_2, %get3A_3] : memref<64x2048xf32, #tpu.memory_space<vmem>>, vector<64x2048xf32>
    %dot_general3A = arith.constant dense<0.000000e+00> : vector<1024x2048xf32>
    %dot_general3A_5 = tpu.matmul %get3A_1, %get3A_4, %dot_general3A {dimension_numbers = #tpu.dot_dimension_numbers<[0], [0], [1], [1], [0, 1, 1, 1], [], []>, transpose_lhs_hint = false} : vector<64x1024xf32>, vector<64x2048xf32>, vector<1024x2048xf32> -> vector<1024x2048xf32>
    %get3A_6 = arith.constant 0 : index
    %get3A_7 = arith.constant 0 : index
    %get3A_8 = vector.load %arg3[%get3A_6, %get3A_7] : memref<1x2048xf32, #tpu.memory_space<vmem>>, vector<1x2048xf32>
    %add3A = vector.broadcast %get3A_8 : vector<1x2048xf32> to vector<1024x2048xf32>
    %add3A_9 = arith.addf %dot_general3A_5, %add3A : vector<1024x2048xf32>
    %reduce_sum3A = arith.constant dense<0.000000e+00> : vector<1024xf32>
    %reduce_sum3A_10 = vector.multi_reduction <add>, %add3A_9, %reduce_sum3A [1] : vector<1024x2048xf32> to vector<1024xf32>
    %broadcast_in_dim3A = vector.shape_cast %reduce_sum3A_10 : vector<1024xf32> to vector<1024x1xf32>
    %mul3A = arith.constant 4.8828125E-4 : f32
    %mul3A_11 = vector.broadcast %mul3A : f32 to vector<1024x1xf32>
    %mul3A_12 = arith.mulf %broadcast_in_dim3A, %mul3A_11 : vector<1024x1xf32>
    %mul3A_13 = arith.mulf %add3A_9, %add3A_9 : vector<1024x2048xf32>
    %reduce_sum3A_14 = arith.constant dense<0.000000e+00> : vector<1024xf32>
    %reduce_sum3A_15 = vector.multi_reduction <add>, %mul3A_13, %reduce_sum3A_14 [1] : vector<1024x2048xf32> to vector<1024xf32>
    %broadcast_in_dim3A_16 = vector.shape_cast %reduce_sum3A_15 : vector<1024xf32> to vector<1024x1xf32>
    %mul3A_17 = arith.constant 4.8828125E-4 : f32
    %mul3A_18 = vector.broadcast %mul3A_17 : f32 to vector<1024x1xf32>
    %mul3A_19 = arith.mulf %broadcast_in_dim3A_16, %mul3A_18 : vector<1024x1xf32>
    %mul3A_20 = arith.mulf %mul3A_12, %mul3A_12 : vector<1024x1xf32>
    %sub3A = arith.subf %mul3A_19, %mul3A_20 : vector<1024x1xf32>
    %add3A_21 = arith.constant 9.99999974E-6 : f32
    %add3A_22 = vector.broadcast %add3A_21 : f32 to vector<1024x1xf32>
    %add3A_23 = arith.addf %sub3A, %add3A_22 : vector<1024x1xf32>
    %rsqrt3A = math.rsqrt %add3A_23 : vector<1024x1xf32>
    %get3A_24 = arith.constant 0 : index
    %get3A_25 = arith.constant 0 : index
    %get3A_26 = vector.load %arg4[%get3A_24, %get3A_25] : memref<1x2048xf32, #tpu.memory_space<vmem>>, vector<1x2048xf32>
    %mul3A_27 = vector.broadcast %rsqrt3A : vector<1024x1xf32> to vector<1024x2048xf32>
    %mul3A_28 = vector.broadcast %get3A_26 : vector<1x2048xf32> to vector<1024x2048xf32>
    %mul3A_29 = arith.mulf %mul3A_27, %mul3A_28 : vector<1024x2048xf32>
    %get3A_30 = arith.constant 0 : index
    %get3A_31 = arith.constant 0 : index
    %get3A_32 = vector.load %arg5[%get3A_30, %get3A_31] : memref<1x2048xf32, #tpu.memory_space<vmem>>, vector<1x2048xf32>
    %mul3A_33 = vector.broadcast %mul3A_12 : vector<1024x1xf32> to vector<1024x2048xf32>
    %mul3A_34 = arith.mulf %mul3A_33, %mul3A_29 : vector<1024x2048xf32>
    %sub3A_35 = vector.broadcast %get3A_32 : vector<1x2048xf32> to vector<1024x2048xf32>
    %sub3A_36 = arith.subf %sub3A_35, %mul3A_34 : vector<1024x2048xf32>
    %mul3A_37 = arith.mulf %add3A_9, %mul3A_29 : vector<1024x2048xf32>
    %add3A_38 = arith.addf %mul3A_37, %sub3A_36 : vector<1024x2048xf32>
    %mul3A_39 = arith.constant 5.000000e-01 : f32
    %mul3A_40 = vector.broadcast %mul3A_39 : f32 to vector<1024x2048xf32>
    %mul3A_41 = arith.mulf %mul3A_40, %add3A_38 : vector<1024x2048xf32>
    %mul3A_42 = arith.constant 0.707106769 : f32
    %mul3A_43 = vector.broadcast %mul3A_42 : f32 to vector<1024x2048xf32>
    %mul3A_44 = arith.mulf %add3A_38, %mul3A_43 : vector<1024x2048xf32>
    %erf3A = math.erf %mul3A_44 : vector<1024x2048xf32>
    %mul3A_45 = arith.mulf %mul3A_41, %erf3A : vector<1024x2048xf32>
    %add3A_46 = arith.addf %mul3A_41, %mul3A_45 : vector<1024x2048xf32>
    %swap3A = arith.constant 0 : index
    %swap3A_47 = arith.constant 0 : index
    %swap3A_48 = vector.load %arg6[%swap3A, %swap3A_47] : memref<1024x2048xf32, #tpu.memory_space<vmem>>, vector<1024x2048xf32>
    tpu.vector_store %arg6[%swap3A, %swap3A_47], %add3A_46 {strides = array<i32>} : memref<1024x2048xf32, #tpu.memory_space<vmem>>, vector<1024x2048xf32>,
    return
  }
  func.func @transform_0(%arg0: i32) -> (i32, i32) {
    %c0_i32 = arith.constant 0 : i32
    %c0_i32_0 = arith.constant 0 : i32
    return %c0_i32, %arg0 : i32, i32
  }
  func.func @transform_1(%arg0: i32) -> (i32, i32) {
    %c0_i32 = arith.constant 0 : i32
    %c0_i32_0 = arith.constant 0 : i32
    %c0_i32_1 = arith.constant 0 : i32
    return %c0_i32, %c0_i32_0 : i32, i32
  }
  func.func @transform_2(%arg0: i32) -> (i32, i32) {
    %c0_i32 = arith.constant 0 : i32
    %c0_i32_0 = arith.constant 0 : i32
    %c0_i32_1 = arith.constant 0 : i32
    return %c0_i32, %c0_i32_0 : i32, i32
  }
  func.func @transform_3(%arg0: i32) -> (i32, i32) {
    %c0_i32 = arith.constant 0 : i32
    %c0_i32_0 = arith.constant 0 : i32
    %c0_i32_1 = arith.constant 0 : i32
    return %c0_i32, %c0_i32_0 : i32, i32
  }
  func.func @transform_4(%arg0: i32) -> (i32, i32) {
    %c0_i32 = arith.constant 0 : i32
    %c0_i32_0 = arith.constant 0 : i32
    %c0_i32_1 = arith.constant 0 : i32
    return %c0_i32, %c0_i32_0 : i32, i32
  }
  func.func @transform_5(%arg0: i32) -> (i32, i32) {
    %c0_i32 = arith.constant 0 : i32
    %c0_i32_0 = arith.constant 0 : i32
    return %arg0, %c0_i32 : i32, i32
  }
}

module attributes {stable_mosaic.version = 14 : i64} {
  func.func @_pv_matmul_kernel(%arg0: i32, %arg1: memref<64x8x128xf32, #tpu.memory_space<vmem>>, %arg2: memref<8x128x2048xf32, #tpu.memory_space<vmem>>, %arg3: memref<64x2048xf32, #tpu.memory_space<vmem>>) attributes {dimension_semantics = [#tpu.dimension_semantics<arbitrary>], iteration_bounds = array<i64: 16>, scalar_prefetch = 0 : i64, scratch_operands = 0 : i64, tpu.core_type = #tpu.core_type<tc>, window_params = [{transform_indices = @transform_0, window_bounds = array<i64: 64, 8, 128>}, {transform_indices = @transform_1, window_bounds = array<i64: 8, 128, 2048>}, {pipeline_mode = #tpu.pipeline_mode<synchronous>, transform_indices = @transform_2, window_bounds = array<i64: 64, 2048>}]} {
    %eq3A = arith.constant 0 : i32
    %eq3A_0 = arith.cmpi eq, %arg0, %eq3A : i32
    %convert_element_type3A = arith.extui %eq3A_0 : i1 to i32
    %cond3A = arith.constant 0 : i32
    %cond3A_1 = arith.cmpi ne, %convert_element_type3A, %cond3A : i32
    scf.if %cond3A_1 {
      %broadcast_in_dim3A = arith.constant 0.000000e+00 : f32
      %broadcast_in_dim3A_150 = vector.broadcast %broadcast_in_dim3A : f32 to vector<64x2048xf32>
      %swap3A_151 = arith.constant 0 : index
      %swap3A_152 = arith.constant 0 : index
      %swap3A_153 = vector.load %arg3[%swap3A_151, %swap3A_152] : memref<64x2048xf32, #tpu.memory_space<vmem>>, vector<64x2048xf32>
      tpu.vector_store %arg3[%swap3A_151, %swap3A_152], %broadcast_in_dim3A_150 {strides = array<i32>} : memref<64x2048xf32, #tpu.memory_space<vmem>>, vector<64x2048xf32>,
    } else {
    }
    %get3A = arith.constant 0 : index
    %get3A_2 = arith.constant 0 : index
    %get3A_3 = vector.load %arg3[%get3A, %get3A_2] : memref<64x2048xf32, #tpu.memory_space<vmem>>, vector<64x2048xf32>
    %get3A_4 = arith.constant 0 : index
    %get3A_5 = arith.constant 0 : index
    %get3A_6 = arith.constant 0 : index
    %get3A_7 = vector.load %arg1[%get3A_4, %get3A_5, %get3A_6] : memref<64x8x128xf32, #tpu.memory_space<vmem>>, vector<64x1x128xf32>
    %get3A_8 = vector.shape_cast %get3A_7 : vector<64x1x128xf32> to vector<64x128xf32>
    %get3A_9 = arith.constant 0 : index
    %get3A_10 = arith.constant 0 : index
    %get3A_11 = arith.constant 0 : index
    %get3A_12 = vector.load %arg2[%get3A_9, %get3A_10, %get3A_11] : memref<8x128x2048xf32, #tpu.memory_space<vmem>>, vector<1x128x2048xf32>
    %get3A_13 = vector.shape_cast %get3A_12 : vector<1x128x2048xf32> to vector<128x2048xf32>
    %dot_general3A = arith.constant dense<0.000000e+00> : vector<64x2048xf32>
    %dot_general3A_14 = tpu.matmul %get3A_8, %get3A_13, %dot_general3A {dimension_numbers = #tpu.dot_dimension_numbers<[1], [0], [0], [1], [0, 0, 1, 1], [], []>, transpose_lhs_hint = false} : vector<64x128xf32>, vector<128x2048xf32>, vector<64x2048xf32> -> vector<64x2048xf32>
    %add3A = arith.addf %get3A_3, %dot_general3A_14 : vector<64x2048xf32>
    %swap3A = arith.constant 0 : index
    %swap3A_15 = arith.constant 0 : index
    %swap3A_16 = vector.load %arg3[%swap3A, %swap3A_15] : memref<64x2048xf32, #tpu.memory_space<vmem>>, vector<64x2048xf32>
    tpu.vector_store %arg3[%swap3A, %swap3A_15], %add3A {strides = array<i32>} : memref<64x2048xf32, #tpu.memory_space<vmem>>, vector<64x2048xf32>,
    %get3A_17 = arith.constant 0 : index
    %get3A_18 = arith.constant 0 : index
    %get3A_19 = vector.load %arg3[%get3A_17, %get3A_18] : memref<64x2048xf32, #tpu.memory_space<vmem>>, vector<64x2048xf32>
    %get3A_20 = arith.constant 0 : index
    %get3A_21 = arith.constant 1 : index
    %get3A_22 = arith.constant 0 : index
    %get3A_23 = vector.load %arg1[%get3A_20, %get3A_21, %get3A_22] : memref<64x8x128xf32, #tpu.memory_space<vmem>>, vector<64x1x128xf32>
    %get3A_24 = vector.shape_cast %get3A_23 : vector<64x1x128xf32> to vector<64x128xf32>
    %get3A_25 = arith.constant 1 : index
    %get3A_26 = arith.constant 0 : index
    %get3A_27 = arith.constant 0 : index
    %get3A_28 = vector.load %arg2[%get3A_25, %get3A_26, %get3A_27] : memref<8x128x2048xf32, #tpu.memory_space<vmem>>, vector<1x128x2048xf32>
    %get3A_29 = vector.shape_cast %get3A_28 : vector<1x128x2048xf32> to vector<128x2048xf32>
    %dot_general3A_30 = arith.constant dense<0.000000e+00> : vector<64x2048xf32>
    %dot_general3A_31 = tpu.matmul %get3A_24, %get3A_29, %dot_general3A_30 {dimension_numbers = #tpu.dot_dimension_numbers<[1], [0], [0], [1], [0, 0, 1, 1], [], []>, transpose_lhs_hint = false} : vector<64x128xf32>, vector<128x2048xf32>, vector<64x2048xf32> -> vector<64x2048xf32>
    %add3A_32 = arith.addf %get3A_19, %dot_general3A_31 : vector<64x2048xf32>
    %swap3A_33 = arith.constant 0 : index
    %swap3A_34 = arith.constant 0 : index
    %swap3A_35 = vector.load %arg3[%swap3A_33, %swap3A_34] : memref<64x2048xf32, #tpu.memory_space<vmem>>, vector<64x2048xf32>
    tpu.vector_store %arg3[%swap3A_33, %swap3A_34], %add3A_32 {strides = array<i32>} : memref<64x2048xf32, #tpu.memory_space<vmem>>, vector<64x2048xf32>,
    %get3A_36 = arith.constant 0 : index
    %get3A_37 = arith.constant 0 : index
    %get3A_38 = vector.load %arg3[%get3A_36, %get3A_37] : memref<64x2048xf32, #tpu.memory_space<vmem>>, vector<64x2048xf32>
    %get3A_39 = arith.constant 0 : index
    %get3A_40 = arith.constant 2 : index
    %get3A_41 = arith.constant 0 : index
    %get3A_42 = vector.load %arg1[%get3A_39, %get3A_40, %get3A_41] : memref<64x8x128xf32, #tpu.memory_space<vmem>>, vector<64x1x128xf32>
    %get3A_43 = vector.shape_cast %get3A_42 : vector<64x1x128xf32> to vector<64x128xf32>
    %get3A_44 = arith.constant 2 : index
    %get3A_45 = arith.constant 0 : index
    %get3A_46 = arith.constant 0 : index
    %get3A_47 = vector.load %arg2[%get3A_44, %get3A_45, %get3A_46] : memref<8x128x2048xf32, #tpu.memory_space<vmem>>, vector<1x128x2048xf32>
    %get3A_48 = vector.shape_cast %get3A_47 : vector<1x128x2048xf32> to vector<128x2048xf32>
    %dot_general3A_49 = arith.constant dense<0.000000e+00> : vector<64x2048xf32>
    %dot_general3A_50 = tpu.matmul %get3A_43, %get3A_48, %dot_general3A_49 {dimension_numbers = #tpu.dot_dimension_numbers<[1], [0], [0], [1], [0, 0, 1, 1], [], []>, transpose_lhs_hint = false} : vector<64x128xf32>, vector<128x2048xf32>, vector<64x2048xf32> -> vector<64x2048xf32>
    %add3A_51 = arith.addf %get3A_38, %dot_general3A_50 : vector<64x2048xf32>
    %swap3A_52 = arith.constant 0 : index
    %swap3A_53 = arith.constant 0 : index
    %swap3A_54 = vector.load %arg3[%swap3A_52, %swap3A_53] : memref<64x2048xf32, #tpu.memory_space<vmem>>, vector<64x2048xf32>
    tpu.vector_store %arg3[%swap3A_52, %swap3A_53], %add3A_51 {strides = array<i32>} : memref<64x2048xf32, #tpu.memory_space<vmem>>, vector<64x2048xf32>,
    %get3A_55 = arith.constant 0 : index
    %get3A_56 = arith.constant 0 : index
    %get3A_57 = vector.load %arg3[%get3A_55, %get3A_56] : memref<64x2048xf32, #tpu.memory_space<vmem>>, vector<64x2048xf32>
    %get3A_58 = arith.constant 0 : index
    %get3A_59 = arith.constant 3 : index
    %get3A_60 = arith.constant 0 : index
    %get3A_61 = vector.load %arg1[%get3A_58, %get3A_59, %get3A_60] : memref<64x8x128xf32, #tpu.memory_space<vmem>>, vector<64x1x128xf32>
    %get3A_62 = vector.shape_cast %get3A_61 : vector<64x1x128xf32> to vector<64x128xf32>
    %get3A_63 = arith.constant 3 : index
    %get3A_64 = arith.constant 0 : index
    %get3A_65 = arith.constant 0 : index
    %get3A_66 = vector.load %arg2[%get3A_63, %get3A_64, %get3A_65] : memref<8x128x2048xf32, #tpu.memory_space<vmem>>, vector<1x128x2048xf32>
    %get3A_67 = vector.shape_cast %get3A_66 : vector<1x128x2048xf32> to vector<128x2048xf32>
    %dot_general3A_68 = arith.constant dense<0.000000e+00> : vector<64x2048xf32>
    %dot_general3A_69 = tpu.matmul %get3A_62, %get3A_67, %dot_general3A_68 {dimension_numbers = #tpu.dot_dimension_numbers<[1], [0], [0], [1], [0, 0, 1, 1], [], []>, transpose_lhs_hint = false} : vector<64x128xf32>, vector<128x2048xf32>, vector<64x2048xf32> -> vector<64x2048xf32>
    %add3A_70 = arith.addf %get3A_57, %dot_general3A_69 : vector<64x2048xf32>
    %swap3A_71 = arith.constant 0 : index
    %swap3A_72 = arith.constant 0 : index
    %swap3A_73 = vector.load %arg3[%swap3A_71, %swap3A_72] : memref<64x2048xf32, #tpu.memory_space<vmem>>, vector<64x2048xf32>
    tpu.vector_store %arg3[%swap3A_71, %swap3A_72], %add3A_70 {strides = array<i32>} : memref<64x2048xf32, #tpu.memory_space<vmem>>, vector<64x2048xf32>,
    %get3A_74 = arith.constant 0 : index
    %get3A_75 = arith.constant 0 : index
    %get3A_76 = vector.load %arg3[%get3A_74, %get3A_75] : memref<64x2048xf32, #tpu.memory_space<vmem>>, vector<64x2048xf32>
    %get3A_77 = arith.constant 0 : index
    %get3A_78 = arith.constant 4 : index
    %get3A_79 = arith.constant 0 : index
    %get3A_80 = vector.load %arg1[%get3A_77, %get3A_78, %get3A_79] : memref<64x8x128xf32, #tpu.memory_space<vmem>>, vector<64x1x128xf32>
    %get3A_81 = vector.shape_cast %get3A_80 : vector<64x1x128xf32> to vector<64x128xf32>
    %get3A_82 = arith.constant 4 : index
    %get3A_83 = arith.constant 0 : index
    %get3A_84 = arith.constant 0 : index
    %get3A_85 = vector.load %arg2[%get3A_82, %get3A_83, %get3A_84] : memref<8x128x2048xf32, #tpu.memory_space<vmem>>, vector<1x128x2048xf32>
    %get3A_86 = vector.shape_cast %get3A_85 : vector<1x128x2048xf32> to vector<128x2048xf32>
    %dot_general3A_87 = arith.constant dense<0.000000e+00> : vector<64x2048xf32>
    %dot_general3A_88 = tpu.matmul %get3A_81, %get3A_86, %dot_general3A_87 {dimension_numbers = #tpu.dot_dimension_numbers<[1], [0], [0], [1], [0, 0, 1, 1], [], []>, transpose_lhs_hint = false} : vector<64x128xf32>, vector<128x2048xf32>, vector<64x2048xf32> -> vector<64x2048xf32>
    %add3A_89 = arith.addf %get3A_76, %dot_general3A_88 : vector<64x2048xf32>
    %swap3A_90 = arith.constant 0 : index
    %swap3A_91 = arith.constant 0 : index
    %swap3A_92 = vector.load %arg3[%swap3A_90, %swap3A_91] : memref<64x2048xf32, #tpu.memory_space<vmem>>, vector<64x2048xf32>
    tpu.vector_store %arg3[%swap3A_90, %swap3A_91], %add3A_89 {strides = array<i32>} : memref<64x2048xf32, #tpu.memory_space<vmem>>, vector<64x2048xf32>,
    %get3A_93 = arith.constant 0 : index
    %get3A_94 = arith.constant 0 : index
    %get3A_95 = vector.load %arg3[%get3A_93, %get3A_94] : memref<64x2048xf32, #tpu.memory_space<vmem>>, vector<64x2048xf32>
    %get3A_96 = arith.constant 0 : index
    %get3A_97 = arith.constant 5 : index
    %get3A_98 = arith.constant 0 : index
    %get3A_99 = vector.load %arg1[%get3A_96, %get3A_97, %get3A_98] : memref<64x8x128xf32, #tpu.memory_space<vmem>>, vector<64x1x128xf32>
    %get3A_100 = vector.shape_cast %get3A_99 : vector<64x1x128xf32> to vector<64x128xf32>
    %get3A_101 = arith.constant 5 : index
    %get3A_102 = arith.constant 0 : index
    %get3A_103 = arith.constant 0 : index
    %get3A_104 = vector.load %arg2[%get3A_101, %get3A_102, %get3A_103] : memref<8x128x2048xf32, #tpu.memory_space<vmem>>, vector<1x128x2048xf32>
    %get3A_105 = vector.shape_cast %get3A_104 : vector<1x128x2048xf32> to vector<128x2048xf32>
    %dot_general3A_106 = arith.constant dense<0.000000e+00> : vector<64x2048xf32>
    %dot_general3A_107 = tpu.matmul %get3A_100, %get3A_105, %dot_general3A_106 {dimension_numbers = #tpu.dot_dimension_numbers<[1], [0], [0], [1], [0, 0, 1, 1], [], []>, transpose_lhs_hint = false} : vector<64x128xf32>, vector<128x2048xf32>, vector<64x2048xf32> -> vector<64x2048xf32>
    %add3A_108 = arith.addf %get3A_95, %dot_general3A_107 : vector<64x2048xf32>
    %swap3A_109 = arith.constant 0 : index
    %swap3A_110 = arith.constant 0 : index
    %swap3A_111 = vector.load %arg3[%swap3A_109, %swap3A_110] : memref<64x2048xf32, #tpu.memory_space<vmem>>, vector<64x2048xf32>
    tpu.vector_store %arg3[%swap3A_109, %swap3A_110], %add3A_108 {strides = array<i32>} : memref<64x2048xf32, #tpu.memory_space<vmem>>, vector<64x2048xf32>,
    %get3A_112 = arith.constant 0 : index
    %get3A_113 = arith.constant 0 : index
    %get3A_114 = vector.load %arg3[%get3A_112, %get3A_113] : memref<64x2048xf32, #tpu.memory_space<vmem>>, vector<64x2048xf32>
    %get3A_115 = arith.constant 0 : index
    %get3A_116 = arith.constant 6 : index
    %get3A_117 = arith.constant 0 : index
    %get3A_118 = vector.load %arg1[%get3A_115, %get3A_116, %get3A_117] : memref<64x8x128xf32, #tpu.memory_space<vmem>>, vector<64x1x128xf32>
    %get3A_119 = vector.shape_cast %get3A_118 : vector<64x1x128xf32> to vector<64x128xf32>
    %get3A_120 = arith.constant 6 : index
    %get3A_121 = arith.constant 0 : index
    %get3A_122 = arith.constant 0 : index
    %get3A_123 = vector.load %arg2[%get3A_120, %get3A_121, %get3A_122] : memref<8x128x2048xf32, #tpu.memory_space<vmem>>, vector<1x128x2048xf32>
    %get3A_124 = vector.shape_cast %get3A_123 : vector<1x128x2048xf32> to vector<128x2048xf32>
    %dot_general3A_125 = arith.constant dense<0.000000e+00> : vector<64x2048xf32>
    %dot_general3A_126 = tpu.matmul %get3A_119, %get3A_124, %dot_general3A_125 {dimension_numbers = #tpu.dot_dimension_numbers<[1], [0], [0], [1], [0, 0, 1, 1], [], []>, transpose_lhs_hint = false} : vector<64x128xf32>, vector<128x2048xf32>, vector<64x2048xf32> -> vector<64x2048xf32>
    %add3A_127 = arith.addf %get3A_114, %dot_general3A_126 : vector<64x2048xf32>
    %swap3A_128 = arith.constant 0 : index
    %swap3A_129 = arith.constant 0 : index
    %swap3A_130 = vector.load %arg3[%swap3A_128, %swap3A_129] : memref<64x2048xf32, #tpu.memory_space<vmem>>, vector<64x2048xf32>
    tpu.vector_store %arg3[%swap3A_128, %swap3A_129], %add3A_127 {strides = array<i32>} : memref<64x2048xf32, #tpu.memory_space<vmem>>, vector<64x2048xf32>,
    %get3A_131 = arith.constant 0 : index
    %get3A_132 = arith.constant 0 : index
    %get3A_133 = vector.load %arg3[%get3A_131, %get3A_132] : memref<64x2048xf32, #tpu.memory_space<vmem>>, vector<64x2048xf32>
    %get3A_134 = arith.constant 0 : index
    %get3A_135 = arith.constant 7 : index
    %get3A_136 = arith.constant 0 : index
    %get3A_137 = vector.load %arg1[%get3A_134, %get3A_135, %get3A_136] : memref<64x8x128xf32, #tpu.memory_space<vmem>>, vector<64x1x128xf32>
    %get3A_138 = vector.shape_cast %get3A_137 : vector<64x1x128xf32> to vector<64x128xf32>
    %get3A_139 = arith.constant 7 : index
    %get3A_140 = arith.constant 0 : index
    %get3A_141 = arith.constant 0 : index
    %get3A_142 = vector.load %arg2[%get3A_139, %get3A_140, %get3A_141] : memref<8x128x2048xf32, #tpu.memory_space<vmem>>, vector<1x128x2048xf32>
    %get3A_143 = vector.shape_cast %get3A_142 : vector<1x128x2048xf32> to vector<128x2048xf32>
    %dot_general3A_144 = arith.constant dense<0.000000e+00> : vector<64x2048xf32>
    %dot_general3A_145 = tpu.matmul %get3A_138, %get3A_143, %dot_general3A_144 {dimension_numbers = #tpu.dot_dimension_numbers<[1], [0], [0], [1], [0, 0, 1, 1], [], []>, transpose_lhs_hint = false} : vector<64x128xf32>, vector<128x2048xf32>, vector<64x2048xf32> -> vector<64x2048xf32>
    %add3A_146 = arith.addf %get3A_133, %dot_general3A_145 : vector<64x2048xf32>
    %swap3A_147 = arith.constant 0 : index
    %swap3A_148 = arith.constant 0 : index
    %swap3A_149 = vector.load %arg3[%swap3A_147, %swap3A_148] : memref<64x2048xf32, #tpu.memory_space<vmem>>, vector<64x2048xf32>
    tpu.vector_store %arg3[%swap3A_147, %swap3A_148], %add3A_146 {strides = array<i32>} : memref<64x2048xf32, #tpu.memory_space<vmem>>, vector<64x2048xf32>,
    return
  }
  func.func @transform_0(%arg0: i32) -> (i32, i32, i32) {
    %c0_i32 = arith.constant 0 : i32
    %c0_i32_0 = arith.constant 0 : i32
    %c0_i32_1 = arith.constant 0 : i32
    return %c0_i32, %c0_i32_0, %arg0 : i32, i32, i32
  }
  func.func @transform_1(%arg0: i32) -> (i32, i32, i32) {
    %c0_i32 = arith.constant 0 : i32
    %c0_i32_0 = arith.constant 0 : i32
    %c0_i32_1 = arith.constant 0 : i32
    return %c0_i32, %arg0, %c0_i32_0 : i32, i32, i32
  }
  func.func @transform_2(%arg0: i32) -> (i32, i32) {
    %c0_i32 = arith.constant 0 : i32
    %c0_i32_0 = arith.constant 0 : i32
    %c0_i32_1 = arith.constant 0 : i32
    return %c0_i32, %c0_i32_0 : i32, i32
  }
}

</mosaic_0001>

<sc_bundles>
// kernel: kernel.6.cloned.1.call-start
scs
__scs_entry_jumppad:
0x0: {  	(pc) =	sbr.rel $0x88, $3  }
0x1: {  	(tag) =	ssettag $0x0;
	lr =	simm.s32 $0x1  }
0x2: {  	[smem:$0x3F99] =	sst lr;
	_ =	strace $0xD0000000  }
0x3: {  	_ = 	snop  }
0x4: {  	_ = 	snop  }
0x5: {  	_ = 	snop  }
0x6: {  	_ = 	snop  }
0x7: {  	_ = 	snop  }
__scs_overlays_trampoline_lowered:
0x8: {  	[smem:$0x3FA8] =	sst s0  }
0x9: {  	[smem:$0x3FA9] =	sst s1  }
0xa: {  	[smem:$0x3FAA] =	sst s2  }
0xb: {  	[smem:$0x3FAB] =	sst s3  }
0xc: {  	[smem:$0x3FAC] =	sst s4  }
0xd: {  	[smem:$0x3FAD] =	sst s5  }
0xe: {  	[smem:$0x3FAE] =	sst s6  }
0xf: {  	[smem:$0x3FAF] =	sst s7  }
0x10: {  	[smem:$0x3FB0] =	sst s8  }
0x11: {  	[smem:$0x3FB1] =	sst s9;
	s0 =	simm.s32 @!p0 $0x0  }
0x12: {  	s1 =	sld [smem:$0x3F97];
	s0 =	simm.s32 @p0 $0x1  }
0x13: {  	[smem:$0x3FB2] =	sst s0;
	s0 =	simm.s32 @!p1 $0x0  }
0x14: {  	s2 =	sld [smem:$0x3F96];
	s0 =	simm.s32 @p1 $0x1  }
0x15: {  	[smem:$0x3FB3] =	sst s0;
	s0 =	simm.s32 @!p2 $0x0  }
0x16: {  	s3 =	sld [smem:$0x3FDB];
	s0 =	simm.s32 @p2 $0x1  }
0x17: {  	s4 =	simm.s32 $0x1BF5;
	[smem:$0x3FB5] =	sst s0  }
0x18: {  	s0 =	sld [smem:$0x3F98];
	_ =	swait.ge [sflag:s4], $0x0  }
0x19: {  	s7 =	sld [smem:$0x3F99]  }
0x1a: {  	s8 =	sadd.s32 $0xFFFFE003, lr  }
0x1b: {  	s9 =	sadd.s32 $0xFFFFFEF7, lr;
	s5 =	simm.s32 $0xFFFFFFFF;
	p2 =	slt.u32 s8, $0xFFFFF086  }
0x1c: {  	p1 =	slt.u32 s9, $0xF7A;
	s5 =	simm.s32 @!p2 $0x0  }
0x1d: {  	s5 =	simm.s32 @p1 $0x1;
	p0 =	seq.s32 s7, s2  }
0x1e: {  	s7 =	smul.u32 @!p0 $0xF7A, s2;
	p2 =	seq.s32 @!p0 s5, $0x0  }
0x1f: {  	s9 =	smul.u32 $0xF7A, s1;
	s8 =	simm.s32 @!p0 $0x1BF5;
	p2 =	por !p2, p0  }
0x20: {  	[sflag:s8] =	ssyncset.s32 @!p0 $0xFFFFF086;
	s6 =	sadd.s32 @!p0 s3, s7;
	s7 =	simm.s32 @!p0 $0x108  }
0x21: {  	s3 =	sadd.s32 s3, s9;
	s6 =	sadd.s32 @!p0 $0x88, s6;
	s7 =	simm.s32 @p2 $0x1082  }
0x22: {  	[simem:s7], [sflag:s8] =	dma.local @!p0 [hbm:s6], $0xF7A  }
0x23: {  	s9 =	sor.u32 $0xD0000000, s2;
	s6 =	simm.s32 $0x108;
	_ =	swait.ge @!p0 [sflag:s8], $0x0  }
0x24: {  	s3 =	sadd.s32 $0x88, s3;
	s6 =	simm.s32 @!p1 $0x1082;
	[sflag:s4] =	ssyncset.s32 $0xFFFFF086  }
0x25: {  	[simem:s6], [sflag:s4] =	dma.local [hbm:s3], $0xF7A  }
0x26: {  	[smem:$0x3F99] =	sst s1;
	(tag) =	ssettag s2;
	_ =	strace s9  }
0x27: {  	s1 =	sld [smem:$0x3FA9]  }
0x28: {  	s2 =	sld [smem:$0x3FAA]  }
0x29: {  	s4 =	sld [smem:$0x3FAC]  }
0x2a: {  	p0 =	seq.s32 s5, $0x0;
	s5 =	sld [smem:$0x3FAD]  }
0x2b: {  	s6 =	sld [smem:$0x3FAE]  }
0x2c: {  	s7 =	sld [smem:$0x3FAF]  }
0x2d: {  	s3 =	simm.s32 $0x108;
	s8 =	sld [smem:$0x3FB0]  }
0x2e: {  	s3 =	simm.s32 @!p0 $0x1082;
	s9 =	sld [smem:$0x3FB1]  }
0x2f: {  	lr =	sadd.s32 s0, s3;
	s0 =	sld [smem:$0x3FA8]  }
0x30: {  	s3 =	sld [smem:$0x3FAB]  }
0x31: {  	[smem:$0x3FB4] =	sst s10  }
0x32: {  	s10 =	sld [smem:$0x3FB2];
	_ =	sdelay $0x3  }
0x33: {  	p0 =	seq.s32 s10, $0x1;
	s10 =	sld [smem:$0x3FB4];
	_ =	sdelay $0x3  }
0x34: {  	[smem:$0x3FB4] =	sst s10  }
0x35: {  	s10 =	sld [smem:$0x3FB3];
	_ =	sdelay $0x3  }
0x36: {  	p1 =	seq.s32 s10, $0x1;
	s10 =	sld [smem:$0x3FB4];
	_ =	sdelay $0x3  }
0x37: {  	[smem:$0x3FB4] =	sst s10  }
0x38: {  	s10 =	sld [smem:$0x3FB5]  }
0x39: {  	_ = 	snop;
	(pc) =	sbr.ind lr, $3  }
0x3a: {  	_ = 	snop  }
0x3b: {  	_ = 	snop  }
0x3c: {  	p2 =	seq.s32 s10, $0x1;
	s10 =	sld [smem:$0x3FB4]  }
0x3d: {  	_ =	shalt  }
0x3e: {  	_ =	shalt  }
0x3f: {  	_ =	shalt  }
0x40: {  	_ =	shalt  }
0x41: {  	_ =	shalt  }
0x42: {  	_ =	shalt  }
0x43: {  	_ =	shalt  }
0x44: {  	_ =	shalt  }
0x45: {  	_ =	shalt  }
0x46: {  	_ =	shalt  }
0x47: {  	_ =	shalt  }
0x48: {  	_ =	shalt  }
0x49: {  	_ =	shalt  }
0x4a: {  	_ =	shalt  }
0x4b: {  	_ =	shalt  }
0x4c: {  	_ =	shalt  }
0x4d: {  	_ =	shalt  }
0x4e: {  	_ =	shalt  }
0x4f: {  	_ =	shalt  }
0x50: {  	_ =	shalt  }
0x51: {  	_ =	shalt  }
0x52: {  	_ =	shalt  }
0x53: {  	_ =	shalt  }
0x54: {  	_ =	shalt  }
0x55: {  	_ =	shalt  }
0x56: {  	_ =	shalt  }
0x57: {  	_ =	shalt  }
0x58: {  	_ =	shalt  }
0x59: {  	_ =	shalt  }
0x5a: {  	_ =	shalt  }
0x5b: {  	_ =	shalt  }
0x5c: {  	_ =	shalt  }
0x5d: {  	_ =	shalt  }
0x5e: {  	_ =	shalt  }
0x5f: {  	_ =	shalt  }
0x60: {  	_ =	shalt  }
0x61: {  	_ =	shalt  }
0x62: {  	_ =	shalt  }
0x63: {  	_ =	shalt  }
0x64: {  	_ =	shalt  }
0x65: {  	_ =	shalt  }
0x66: {  	_ =	shalt  }
0x67: {  	_ =	shalt  }
0x68: {  	_ =	shalt  }
0x69: {  	_ =	shalt  }
0x6a: {  	_ =	shalt  }
0x6b: {  	_ =	shalt  }
0x6c: {  	_ =	shalt  }
0x6d: {  	_ =	shalt  }
0x6e: {  	_ =	shalt  }
0x6f: {  	_ =	shalt  }
0x70: {  	_ =	shalt  }
0x71: {  	_ =	shalt  }
0x72: {  	_ =	shalt  }
0x73: {  	_ =	shalt  }
0x74: {  	_ =	shalt  }
0x75: {  	_ =	shalt  }
0x76: {  	_ =	shalt  }
0x77: {  	_ =	shalt  }
0x78: {  	_ =	shalt  }
0x79: {  	_ =	shalt  }
0x7a: {  	_ =	shalt  }
0x7b: {  	_ =	shalt  }
0x7c: {  	_ =	shalt  }
0x7d: {  	_ =	shalt  }
0x7e: {  	_ =	shalt  }
0x7f: {  	_ =	shalt  }
0x80: {  	_ =	shalt  }
0x81: {  	_ =	shalt  }
0x82: {  	_ =	shalt  }
0x83: {  	_ =	shalt  }
0x84: {  	_ =	shalt  }
0x85: {  	_ =	shalt  }
0x86: {  	_ =	shalt  }
0x87: {  	_ =	shalt  }
.Lfunc_end0:
.L_simem_size_0:
called_computation_lowered:
.L_overlay_start_0:
0x88: {  	s2 =	sld [smem:$0x3FD9]  }
0x89: {  	s3 =	sld [smem:$0x3FFE];
	_ =	sdelay $0x1  }
0x8a: {  	s1 =	srdreg.scid  }
0x8b: {  	s0 =	sand.u32 $0x1, s1  }
0x8c: {  	s14 =	sshll.u32 s0, $0xA;
	s2 =	sadd.s32 s3, s2  }
0x8d: {  	s2 =	sadd.s32 s2, s14  }
0x8e: {  	[smem:$0x3FC0] =	sst s2  }
0x8f: {  	_ = 	snop  }
0x90: {  	s2 =	sld [smem:$0x3FD0];
	_ =	sdelay $0x2  }
0x91: {  	s15 =	simm.s32 $0xA;
	s4 =	simm.s32 $0x10  }
0x92: {  	[smem:s4], [sflag:s15] =	dma.local [hbm:s2], $0x1  }
0x93: {  	_ =	swait.eq [sflag:s15], $0x1  }
0x94: {  	[sflag:s15] =	ssyncset.done $0x0  }
0x95: {  	s16 =	sld [smem:$0x10];
	[sflag:s15] =	ssyncadd.s32 $0xFFFFFFFF  }
0x96: {  	s17 =	sld [smem:$0x11];
	(tm) =	ssettm $0x1  }
0x97: {  	s18 =	sld [smem:$0x3FFB];
	_ =	sdelay $0x3  }
0x98: {  	_ =	strace s18  }
0x99: {  	s4 =	sld [smem:$0x3FFC];
	_ =	sdelay $0x3  }
0x9a: {  	_ =	strace s4  }
0x9b: {  	s4 =	sld [smem:$0x3FFD];
	_ =	sdelay $0x3  }
0x9c: {  	_ =	strace s4  }
0x9d: {  	_ =	strace $0x8FFFFFFF  }
0x9e: {  	s19 =	sld [smem:$0x3FDB];
	_ =	sdelay $0x1  }
0x9f: {  	s5 =	simm.s32 $_scs_section_size  }
0xa0: {  	s6 =	simm.s32 $_size__tile_overlayer_lowered;
	s7 =	simm.s32 $_tile_overlayer_lowered  }
0xa1: {  	s22 =	simm.s32 $0x1BFF;
	s21 =	sshll.u32 s7, $0x1;
	s4 =	sadd.s32 s5, s19  }
0xa2: {  	s8 =	simm.s32 $0x0;
	s20 =	sshll.u32 s6, $0x1;
	s6 =	sadd.s32 s21, s4  }
0xa3: {  	[timem:s8], [sflag:s22] =	dma.local [hbm:s6], s20  }
0xa4: {  	_ =	swait.ge [sflag:s22], s20  }
0xa5: {  	s5 =	ssub.s32 $0x0, s20;
	[sflag:s22] =	ssyncset.done $0x0  }
0xa6: {  	[sflag:s22] =	ssyncadd.s32 s5;
	_ =	sdelay $0x1  }
0xa7: {  	s23 =	simm.s32 $0x1B8B  }
0xa8: {  	_ =	swait.ge [sflag:s23], $0x1  }
0xa9: {  	[sflag:s23] =	ssyncset.done $0x0  }
0xaa: {  	s25 =	simm.s32 $0x1B8E;
	s24 =	sld [smem:$0x3FFE];
	[sflag:s23] =	ssyncadd.s32 $0xFFFFFFFF  }
0xab: {  	s26 =	simm.s32 $execute0_lowered;
	[smem:$0x3FD2] =	sst s25  }
0xac: {  	s6 =	sshll.u32 s26, $0x1;
	_ =	strace $0x80000046;
	[dreg:$0x1] =	wrdreg $0xFFFFFFFF  }
0xad: {  	s28 =	simm.s32 $_size_execute0_lowered;
	s4 =	sadd.s32 s4, s6;
	[dreg:$0x0] =	wrdreg $0x0  }
0xae: {  	s6 =	sshll.u32 s28, $0x1;
	[dreg:$0x2] =	wrdreg s4  }
0xaf: {  	[dreg:$0x3] =	wrdreg s6  }
0xb0: {  	[dreg:$0x4] =	wrdreg $0xC0  }
0xb1: {  	_ =	task [dreg:s8], $0x5FFFF  }
0xb2: {  	[dreg:$0x1] =	wrdreg $0xFFFFFFFF  }
0xb3: {  	[dreg:$0x0] =	wrdreg $0x60  }
0xb4: {  	[dreg:$0x2] =	wrdreg s16  }
0xb5: {  	[dreg:$0x3] =	wrdreg s17  }
0xb6: {  	[dreg:$0x4] =	wrdreg s24  }
0xb7: {  	[dreg:$0x5] =	wrdreg $0x9  }
0xb8: {  	_ =	task.clear_ibuf [dreg:s8], $0x6FFFF;
	_ =	strace $0x90000046  }
0xb9: {  	s29 =	simm.s32 $0x9;
	_ =	strace $0x80000048  }
0xba: {  	_ =	swait.ge [sflag:s29], $0x1  }
0xbb: {  	[sflag:s29] =	ssyncadd.s32 $0xFFFFFFFF  }
0xbc: {  	_ =	strace $0x90000048  }
0xbd: {  	_ =	sfence  }
0xbe: {  	s30 =	sld [smem:$0x0];
	_ =	sdelay $0x2  }
0xbf: {  	s31 =	sshll.u32 s1, $0xD;
	s1 =	sshrl.u32 s1, $0x2  }
0xc0: {  	s3 =	sand.u32 $0x4000, s31;
	s1 =	sadd.s32 s1, s30  }
0xc1: {  	s0 =	sor.u32 s3, s0;
	s1 =	sshll.u32 s1, $0x11  }
0xc2: {  	s0 =	sor.u32 s1, s0  }
0xc3: {  	s0 =	sadd.s32 $0x8F2B, s0  }
0xc4: {  	[sflag:s0] =	ssyncadd.remote.s32 $0x1  }
0xc5: {  	_ =	sfence.sel $0xFFFF  }
0xc6: {  	[dreg:$0x0] =	wrdreg $0xFFFFFFFF;
	(pc) =	sbr.abs _section_cstart, $3  }
0xc7: {  	[dreg:$0x1] =	wrdreg $0xFFFFFFFF  }
0xc8: {  	_ =	task.clear_ibuf [dreg:s8], $0x2FFFF;
	_ =	strace $0x9FFFFFFF  }
0xc9: {  	(tm) =	ssettm $0x7FFFFFFF  }
tec
execute0_lowered:
.L_overlay_start_1:
0x0: {  	(tag) =	ssettag $0x1  }
0x1: {  	s4 =	rddreg [dreg:$0x0]  }
0x2: {  	s3 =	rddreg [dreg:$0x1]  }
0x3: {  	s5 =	rddreg [dreg:$0x2]  }
0x4: {  	s0 =	rddreg [dreg:$0x3];
	s2 =	simm.s32 $0x0;
	s6 =	srdreg.scid  }
0x5: {  	s1 =	stileid.u32;
	s10 =	simm.s32 $0x1;
	s11 =	simm.s32 $0x2000  }
0x6: {  	s12 =	simm.s32 $0x2080;
	s13 =	simm.s32 $0x2100;
	s14 =	simm.s32 $0x0  }
0x7: {  	[smem:$0x7FF] =	sst s2;
	s6 =	sand.u32 $0x1, s6;
	s7 =	sshll.u32 s1, $0x1  }
0x8: {  	_ =	strace $0x80000047;
	s7 =	sor.u32 s6, s7;
	s6 =	ssub.s32 $0x2, s6  }
0x9: {  	s8 =	sshll.u32 s7, $0x7;
	s7 =	sshll.u32 s7, $0x5;
	s30 =	sshrl.u32 s6, $0x1  }
0xa: {  	s9 =	sadd.s32 s8, s5;
	s3 =	sadd.s32 s3, s7;
	s31 =	ssub.s32 s6, s30  }
0xb: {  	s4 =	sadd.s32 s4, s8;
	s8 =	simm.s32 $0x400;
	s5 =	sadd.s32 $0x10, s3  }
0xc: {  	s6 =	sadd.s32 $0x1600, s9;
	s7 =	smax.u32 s31, $0x1;
	s9 =	simm.s32 $0x8000  }
.LBB2_1:
0xd: {  	[tilespmem:s2], [sflag:$0x1] =	stream.strided.gather [hbm4b:s4+s8], $0x2000, s9, s8, $0x38;
	[tilespmem:$0x4100] =	vst v63  }
0xe: {  	_ =	swait.ge [sflag:s10], $0x2000  }
0xf: {  	s15 =	simm.s32 $0x2100;
	[sflag:s10] =	ssyncset.done $0x0  }
0x10: {  	s16 =	simm.s32 $0x0;
	s17 =	simm.s32 $0x0;
	[sflag:s10] =	ssyncadd.s32 $0xFFFFE000  }
.LBB2_2:
0x11: {  	v3 =	vld [tilespmem:s16+$0x0];
	_ =	sdelay $0x3  }
0x12: {  	s18 =	sshll.u32 s17, $0x4;
	v2 =	vimm.f32 $-Inf;
	v1 =	vimm.s32 $0x0  }
0x13: {  	s19 =	simm.s32 $0x0;
	s20 =	simm.s32 $0x1;
	s21 =	sadd.s32 $0x80, s16;
	v4 =	vimm.f32 $-Inf;
	v0 =	vimm.s32 $0x0;
	vm0 =	vgt.f32 v3, v2  }
.LBB2_3:
0x14: {  	v5 =	vld [tilespmem:s21+$0x0];
	p0 =	sne.s32 s20, $0x3F;
	vm1 =	vgt.f32 v3, v2;
	v1 =	vsel vm0, s19, v1;
	v4 =	vsel vm0, v3, v4;
	s22 =	smov.u32 s20;
	s20 =	sadd.s32 $0x1, s20  }
.Ltmp0:
0x15: {  	v1 =	vsel vm1, v0, v1;
	v4 =	vsel vm1, v2, v4;
	v2 =	vsel vm1, v3, v2;
	(pc) =	sbr.rel @p0 .LBB2_3-.Ltmp0, $2  }
0x16: {  	v0 =	vsel vm1, s19, v0;
	s19 =	smov.u32 s22;
	_ =	sdelay $0x2  }
0x17: {  	s21 =	sadd.s32 $0x80, s21;
	vm0 =	vgt.f32 v5, v4;
	v3 =	vmov v5  }
0x18: {  	vm1 =	vgt.f32 v3, v2;
	v4 =	vsel vm0, v3, v4  }
0x19: {  	v4 =	vsel vm1, v2, v4;
	v2 =	vsel vm1, v3, v2  }
0x1a: {  	v2 =	vsub.f32 v4, v2;
	_ =	sdelay $0x1  }
0x1b: {  	v2 =	vmul.f32 $1.442695020e+00, v2;
	_ =	sdelay $0x1  }
0x1c: {  	(erf) = vpow2.f32 v2;
	_ =	sdelay $0x8  }
0x1d: {  	v3 =	vpop (erf)  }
0x1e: {  	v2 =	vadd.f32 $1.000000000e+00, v3;
	_ =	sdelay $0x1  }
0x1f: {  	(erf) = vrcp.f32 v2;
	_ =	sdelay $0x8  }
0x20: {  	v1 =	vsel vm0, s19, v1;
	v2 =	vpop (erf)  }
0x21: {  	s31 =	simm.s32 $0x0;
	v1 =	vsel vm1, v0, v1;
	v0 =	vsel vm1, s19, v0;
	v3 =	vmul.f32 v2, v3  }
0x22: {  	vm14 =	veq.s32 v0, s31;
	vm15 =	veq.s32 v1, s31  }
0x23: {  	v4 =	vnsel vm14, $0x0, v2;
	v5 =	vnsel vm15, $0x0, v3  }
0x24: {  	v4 =	vadd.f32 v5, v4;
	_ =	sdelay $0x1  }
0x25: {  	s20 =	smov.u32 s15;
	s19 =	simm.s32 $0x1;
	[tilespmem:s15+$0x0] =	vst v4  }
.LBB2_5:
0x26: {  	p0 =	sne.s32 s19, $0x3F  }
.Ltmp1:
0x27: {  	vm0 =	veq.s32 v0, s19;
	vm1 =	veq.s32 v1, s19;
	s19 =	sadd.s32 $0x1, s19;
	(pc) =	sbr.rel @p0 .LBB2_5-.Ltmp1, $4  }
0x28: {  	v4 =	vnsel vm0, $0x0, v2;
	v5 =	vnsel vm1, $0x0, v3  }
0x29: {  	v4 =	vadd.f32 v5, v4  }
0x2a: {  	s20 =	sadd.s32 $0x80, s20  }
0x2b: {  	[tilespmem:s20+$0x0] =	vst v4  }
0x2c: {  	s17 =	sadd.s32 $0x1, s17  }
0x2d: {  	p0 =	sne.s32 s17, $0x8  }
.Ltmp2:
0x2e: {  	_ = 	snop;
	(pc) =	sbr.rel @p0 .LBB2_2-.Ltmp2, $3  }
0x2f: {  	_ =	sdelay $0x1  }
0x30: {  	[tilespmem:s18+$0x2000] =	vst v0  }
0x31: {  	[tilespmem:s18+$0x2080] =	vst v1;
	s16 =	sadd.s32 $0x10, s16;
	s15 =	sadd.s32 $0x10, s15  }
0x32: {  	[hbm4b:s3+s2] =	stream.linear.scatter [tilespmem:s11], [sflag:$0x1], $0x80, $0x38;
	[tilespmem:$0x4100] =	vst v63  }
0x33: {  	_ =	swait.ge [sflag:s10], $0x80  }
0x34: {  	[sflag:s10] =	ssyncset.done $0x0  }
0x35: {  	[sflag:s10] =	ssyncadd.s32 $0xFFFFFF80  }
0x36: {  	[hbm4b:s5+s2] =	stream.linear.scatter [tilespmem:s12], [sflag:$0x1], $0x80, $0x38;
	[tilespmem:$0x4100] =	vst v63  }
0x37: {  	s14 =	sadd.s32 $0x1, s14;
	_ =	swait.ge [sflag:s10], $0x80  }
0x38: {  	p0 =	sne.s32 s14, s7;
	[sflag:s10] =	ssyncset.done $0x0  }
.Ltmp3:
0x39: {  	[sflag:s10] =	ssyncadd.s32 $0xFFFFFF80;
	(pc) =	sbr.rel @p0 .LBB2_1-.Ltmp3, $4  }
0x3a: {  	[hbm4b:s6+s8] =	stream.strided.scatter [tilespmem:s13], [sflag:$0x1], $0x2000, s9, s8, $0x38;
	[tilespmem:$0x4100] =	vst v63  }
0x3b: {  	_ =	swait.ge [sflag:s10], $0x2000  }
0x3c: {  	[sflag:s10] =	ssyncset.done $0x0  }
0x3d: {  	[sflag:s10] =	ssyncadd.s32 $0xFFFFE000  }
0x3e: {  	_ =	sfence.sel $0x180000  }
0x3f: {  	[bflag:$0x0] =	sbarrier.arrive $0xFFFF  }
0x40: {  	p0 =	sne.s32 s1, $0x0;
	_ =	strace $0x90000047  }
0x41: {  	s0 =	sadd.s32 @!p0 $0x100000, s0;
	[bflag:$0x2] =	sbarrier.arrive $0xFFFF  }
0x42: {  	[sflag:s0] =	ssyncadd.tile.s32 @!p0 $0x1;
	_ =	shalt  }
.Lfunc_end2:
_tile_overlayer_lowered:
.L_overlay_start_2:
0x43: {  	(tag) =	ssettag $0x2  }
0x44: {  	s0 =	rddreg [dreg:$0x0];
	s2 =	stileid.u32  }
0x45: {  	s1 =	rddreg [dreg:$0x1];
	p0 =	sne.s32 s2, $0x0  }
0x46: {  	s3 =	rddreg [dreg:$0x2];
	[bflag:$0x3] =	sbarrier.arrive $0xFFFF;
	s2 =	simm.s32 @!p0 $0x1C01  }
0x47: {  	[timem:s3], [sflag:s2] =	dma.local @!p0 [hbm:s0], s1  }
0x48: {  	s0 =	simm.s32 @!p0 $0x1  }
0x49: {  	_ =	swait.ge @!p0 [sflag:s0], s1  }
0x4a: {  	s1 =	ssub.s32 @!p0 $0x0, s1;
	[sflag:s0] =	ssyncset.done @!p0 $0x0  }
0x4b: {  	[sflag:s0] =	ssyncadd.s32 @!p0 s1  }
0x4c: {  	[bflag:$0x3] =	sbarrier.arrive $0xFFFF  }
0x4d: {  	_ =	shalt  }

</sc_bundles>
